<compile_context>
chip_gen: v7x
topology: tpu7x:2x2x1
jax: 0.10.2.dev20260603
libtpu: 0.0.44.dev20260713+nightly
codegen_flags: <defaults>
</compile_context>

<pallas_src>
import functools

import jax
import jax.numpy as jnp
from jax import lax
from jax.experimental import pallas as pl
from jax.experimental.pallas import tpu as pltpu
from jax.experimental.pallas import tpu_sc as plsc

N = 10000
E = 320000
D = 128

NC = 2
NS = 16
NW = NC * NS

CHUNK = 128

EP1 = 327680
PER_SUB1 = EP1 // NW
NCHUNK1 = PER_SUB1 // CHUNK

NP = 10112
ROWS_PER_SUB = NP // NS


def _agg_body(src_hbm, dst_hbm, x_hbm, zeros_hbm, out_hbm, acc_sh, sidx_v,
              didx_v, buf_v, sem):
    cid = lax.axis_index("c")
    sid = lax.axis_index("s")

    lo = sid * ROWS_PER_SUB
    pltpu.sync_copy(zeros_hbm.at[pl.ds(lo, ROWS_PER_SUB)],
                    acc_sh.at[pl.ds(lo, ROWS_PER_SUB)])
    plsc.subcore_barrier()

    base = cid * (EP1 // NC) + sid * PER_SUB1

    def step(i, carry):
        off = base + i * CHUNK
        pltpu.sync_copy(src_hbm.at[pl.ds(off, CHUNK)], sidx_v)
        pltpu.sync_copy(dst_hbm.at[pl.ds(off, CHUNK)], didx_v)
        pltpu.async_copy(x_hbm.at[sidx_v], buf_v, sem).wait()
        pltpu.sync_copy(buf_v, acc_sh.at[didx_v], add=True)
        return carry

    lax.fori_loop(0, NCHUNK1, step, 0)
    plsc.subcore_barrier()
    pltpu.sync_copy(acc_sh.at[pl.ds(lo, ROWS_PER_SUB)],
                    out_hbm.at[cid, pl.ds(lo, ROWS_PER_SUB)])


@jax.jit
def _sc_agg(srcp, dstp, x, zeros):
    mesh = plsc.VectorSubcoreMesh(core_axis_name="c", subcore_axis_name="s")
    return pl.kernel(
        _agg_body,
        out_type=jax.ShapeDtypeStruct((NC, NP, D), jnp.float32),
        mesh=mesh,
        compiler_params=pltpu.CompilerParams(needs_layout_passes=False),
        scratch_types=[
            pltpu.VMEM_SHARED((NP, D), jnp.float32),
            pltpu.VMEM((CHUNK,), jnp.int32),
            pltpu.VMEM((CHUNK,), jnp.int32),
            pltpu.VMEM((CHUNK, D), jnp.float32),
            pltpu.SemaphoreType.DMA,
        ],
    )(srcp, dstp, x, zeros)


CH2 = 96
EP2 = 331776
PER_SUB2 = EP2 // NW
NCHUNK2 = PER_SUB2 // CH2

F = 64


def _gat_body(src_hbm, dst_hbm, tbl_hbm, mv_hbm, zeros_hbm, acc_out,
              acc_sh, sidx_v, didx_v, sbuf, dbuf, wout, exf, mv_v, sem):
    cid = lax.axis_index("c")
    sid = lax.axis_index("s")

    lo = sid * ROWS_PER_SUB
    pltpu.sync_copy(zeros_hbm.at[pl.ds(lo, ROWS_PER_SUB)],
                    acc_sh.at[pl.ds(lo, ROWS_PER_SUB)])
    pltpu.sync_copy(zeros_hbm.at[pl.ds(0, CH2)], wout)
    pltpu.sync_copy(mv_hbm, mv_v)
    plsc.subcore_barrier()

    mx = mv_v[...]
    pat8 = lax.div(lax.iota(jnp.int32, 16), 8)

    base = cid * (EP2 // NC) + sid * PER_SUB2

    def step(i, carry):
        off = base + i * CH2
        pltpu.sync_copy(src_hbm.at[pl.ds(off, CH2)], sidx_v)
        pltpu.sync_copy(dst_hbm.at[pl.ds(off, CH2)], didx_v)
        cp1 = pltpu.async_copy(tbl_hbm.at[sidx_v], sbuf, sem)
        cp2 = pltpu.async_copy(tbl_hbm.at[didx_v], dbuf, sem)
        cp1.wait()
        cp2.wait()

        def exstep(e, c):
            ed_v = dbuf[e, pl.ds(80, 16)]
            z = sbuf[e, pl.ds(64, 16)] + ed_v
            z = jnp.maximum(z, 0.2 * z)
            m = mx + ed_v
            m = jnp.maximum(m, 0.2 * m)
            v = jnp.exp(jnp.maximum(z - m, -80.0))
            wout[e, pl.ds(64, 16)] = v
            exf[pl.ds(e * 16, 16)] = v
            return c

        lax.fori_loop(0, CH2, exstep, 0)

        def wstep(j, c):
            e = lax.div(j, 4)
            q = lax.rem(j, 4)
            w = plsc.load_gather(exf, [e * 16 + 2 * q + pat8])
            wout[e, pl.ds(q * 16, 16)] = sbuf[e, pl.ds(q * 16, 16)] * w
            return c

        lax.fori_loop(0, CH2 * 4, wstep, 0)

        pltpu.sync_copy(wout, acc_sh.at[didx_v], add=True)
        return carry

    lax.fori_loop(0, NCHUNK2, step, 0)
    plsc.subcore_barrier()
    pltpu.sync_copy(acc_sh.at[pl.ds(lo, ROWS_PER_SUB)],
                    acc_out.at[cid, pl.ds(lo, ROWS_PER_SUB)])


@jax.jit
def _sc_gat(srcp, dstp, tbl, mv, zeros):
    mesh = plsc.VectorSubcoreMesh(core_axis_name="c", subcore_axis_name="s")
    return pl.kernel(
        _gat_body,
        out_type=jax.ShapeDtypeStruct((NC, NP, D), jnp.float32),
        mesh=mesh,
        compiler_params=pltpu.CompilerParams(needs_layout_passes=False),
        scratch_types=[
            pltpu.VMEM_SHARED((NP, D), jnp.float32),
            pltpu.VMEM((CH2,), jnp.int32),
            pltpu.VMEM((CH2,), jnp.int32),
            pltpu.VMEM((CH2, D), jnp.float32),
            pltpu.VMEM((CH2, D), jnp.float32),
            pltpu.VMEM((CH2, D), jnp.float32),
            pltpu.VMEM((CH2 * 16,), jnp.float32),
            pltpu.VMEM((16,), jnp.float32),
            pltpu.SemaphoreType.DMA,
        ],
    )(srcp, dstp, tbl, mv, zeros)



RB = 2000
GRID_N = N // RB


def _mm(a, b):
    return lax.dot_general(a, b, (((1,), (0,)), ((), ())),
                           precision=lax.Precision.HIGHEST,
                           preferred_element_type=jnp.float32)


def _tcA_body(agg0, agg1, x, Wrel, brel, Wroot, W1, As16, Ad16,
              xw_o, esx_o, edx_o, mx_o):
    h = agg0[...] + agg1[...]
    h = _mm(h, Wrel[...]) + brel[...] + _mm(x[...], Wroot[...])
    h = jnp.where(h > 0, h, jnp.exp(h) - 1.0)
    xw = _mm(h, W1[...])
    esx = _mm(xw, As16[...])
    edx = _mm(xw, Ad16[...])
    xw_o[...] = xw
    esx_o[...] = esx
    edx_o[...] = edx
    bm = jnp.max(esx, axis=0, keepdims=True)

    @pl.when(pl.program_id(0) == 0)
    def _():
        mx_o[...] = bm

    @pl.when(pl.program_id(0) != 0)
    def _():
        mx_o[...] = jnp.maximum(mx_o[...], bm)


@jax.jit
def _tc_stage1(agg0, agg1, x, Wrel, brel, Wroot, W1, As16, Ad16):
    row = lambda i: (i, 0)
    full = lambda i: (0, 0)
    return pl.pallas_call(
        _tcA_body,
        grid=(GRID_N,),
        in_specs=[
            pl.BlockSpec((RB, D), row), pl.BlockSpec((RB, D), row),
            pl.BlockSpec((RB, D), row),
            pl.BlockSpec((D, D), full), pl.BlockSpec((1, D), full),
            pl.BlockSpec((D, D), full), pl.BlockSpec((D, F), full),
            pl.BlockSpec((F, 16), full), pl.BlockSpec((F, 16), full),
        ],
        out_specs=[
            pl.BlockSpec((RB, F), row), pl.BlockSpec((RB, 16), row),
            pl.BlockSpec((RB, 16), row), pl.BlockSpec((1, 16), full),
        ],
        out_shape=[
            jax.ShapeDtypeStruct((N, F), jnp.float32),
            jax.ShapeDtypeStruct((N, 16), jnp.float32),
            jax.ShapeDtypeStruct((N, 16), jnp.float32),
            jax.ShapeDtypeStruct((1, 16), jnp.float32),
        ],
    )(agg0, agg1, x, Wrel, brel, Wroot, W1, As16, Ad16)


def _tcC_body(a0, a1, b1, W2, As2, Ad2, Exp8, xw_o, esx_o, edx_o, mx_o):
    s = a0[...] + a1[...]
    num = s[:, :64]
    den64 = _mm(s[:, 64:72], Exp8[...])
    h1 = num / (den64 + 1e-16) + b1[...]
    h1 = jnp.where(h1 > 0, h1, jnp.exp(h1) - 1.0)
    xw2 = _mm(h1, W2[...])
    esx = _mm(xw2, As2[...])
    edx = _mm(xw2, Ad2[...])
    xw_o[...] = xw2
    esx_o[...] = esx
    edx_o[...] = edx
    bm = jnp.max(esx, axis=0, keepdims=True)

    @pl.when(pl.program_id(0) == 0)
    def _():
        mx_o[...] = bm

    @pl.when(pl.program_id(0) != 0)
    def _():
        mx_o[...] = jnp.maximum(mx_o[...], bm)


@jax.jit
def _tc_stage2(a0, a1, b1, W2, As2, Ad2, Exp8):
    row = lambda i: (i, 0)
    full = lambda i: (0, 0)
    return pl.pallas_call(
        _tcC_body,
        grid=(GRID_N,),
        in_specs=[
            pl.BlockSpec((RB, D), row), pl.BlockSpec((RB, D), row),
            pl.BlockSpec((1, F), full), pl.BlockSpec((F, F), full),
            pl.BlockSpec((F, 16), full), pl.BlockSpec((F, 16), full),
            pl.BlockSpec((8, F), full),
        ],
        out_specs=[
            pl.BlockSpec((RB, F), row), pl.BlockSpec((RB, 16), row),
            pl.BlockSpec((RB, 16), row), pl.BlockSpec((1, 16), full),
        ],
        out_shape=[
            jax.ShapeDtypeStruct((N, F), jnp.float32),
            jax.ShapeDtypeStruct((N, 16), jnp.float32),
            jax.ShapeDtypeStruct((N, 16), jnp.float32),
            jax.ShapeDtypeStruct((1, 16), jnp.float32),
        ],
    )(a0, a1, b1, W2, As2, Ad2, Exp8)


def _tcE_body(a0, a1, b2, OnesE, Wr, br, out_o, acc):
    s = a0[...] + a1[...]
    num = s[:, :64]
    den64 = _mm(s[:, 64:65], OnesE[...])
    h2 = num / (den64 + 1e-16) + b2[...]
    part = jnp.sum(h2, axis=0, keepdims=True)

    @pl.when(pl.program_id(0) == 0)
    def _():
        acc[...] = part

    @pl.when(pl.program_id(0) != 0)
    def _():
        acc[...] = acc[...] + part

    @pl.when(pl.program_id(0) == GRID_N - 1)
    def _():
        g = acc[...] * (1.0 / N)
        out_o[...] = _mm(g, Wr[...]) + br[...]


@jax.jit
def _tc_stage3(a0, a1, b2, OnesE, Wr, br):
    row = lambda i: (i, 0)
    full = lambda i: (0, 0)
    return pl.pallas_call(
        _tcE_body,
        grid=(GRID_N,),
        in_specs=[
            pl.BlockSpec((RB, D), row), pl.BlockSpec((RB, D), row),
            pl.BlockSpec((1, F), full), pl.BlockSpec((1, F), full),
            pl.BlockSpec((F, 1), full), pl.BlockSpec((1, 1), full),
        ],
        out_specs=pl.BlockSpec((1, 1), full),
        out_shape=jax.ShapeDtypeStruct((1, 1), jnp.float32),
        scratch_shapes=[pltpu.VMEM((1, F), jnp.float32)],
    )(a0, a1, b2, OnesE, Wr, br)


def kernel(x, edge_index, W_rel, b_rel, W_root, W1, att_src1, att_dst1, b1,
           W2, att_src2, att_dst2, b2, Wr, br):
    src, dst = edge_index[0], edge_index[1]

    pad1 = EP1 - E
    srcp = jnp.concatenate([src, (jnp.arange(pad1, dtype=jnp.int32) % N)])
    dstp = jnp.concatenate([dst, N + (jnp.arange(pad1, dtype=jnp.int32) % 32)])
    zeros = jnp.zeros((NP, D), jnp.float32)

    aggs = _sc_agg(srcp, dstp, x, zeros)

    eye8 = jnp.eye(8, dtype=jnp.float32)
    As = (att_src1[0][:, :, None] * eye8[:, None, :]).reshape(64, 8)
    Ad = (att_dst1[0][:, :, None] * eye8[:, None, :]).reshape(64, 8)
    As16 = jnp.concatenate([As, As], axis=1)
    Ad16 = jnp.concatenate([Ad, Ad], axis=1)
    As2 = att_src2[0, 0][:, None] * jnp.ones((1, 16), jnp.float32)
    Ad2 = att_dst2[0, 0][:, None] * jnp.ones((1, 16), jnp.float32)
    Exp8 = jnp.repeat(jnp.eye(8, dtype=jnp.float32), 8, axis=1)
    OnesE = jnp.ones((1, F), jnp.float32)

    xw1, esx1, edx1, mx1 = _tc_stage1(
        aggs[0, :N], aggs[1, :N], x, W_rel, b_rel.reshape(1, D), W_root, W1,
        As16, Ad16)

    loop = jnp.arange(N, dtype=jnp.int32)
    pad2 = EP2 - E - N
    src2 = jnp.concatenate([src, loop, (jnp.arange(pad2, dtype=jnp.int32) % N)])
    dst2 = jnp.concatenate([dst, loop,
                            N + (jnp.arange(pad2, dtype=jnp.int32) % 32)])

    ztail = jnp.zeros((N, 32), jnp.float32)
    tbl1 = jnp.concatenate([xw1, esx1, edx1, ztail], axis=1)
    acc1 = _sc_gat(src2, dst2, tbl1, mx1.reshape(16), zeros)

    xw2, esx2, edx2, mx2 = _tc_stage2(
        acc1[0, :N], acc1[1, :N], b1.reshape(1, F), W2, As2, Ad2, Exp8)

    tbl2 = jnp.concatenate([xw2, esx2, edx2, ztail], axis=1)
    acc2 = _sc_gat(src2, dst2, tbl2, mx2.reshape(16), zeros)

    return _tc_stage3(acc2[0, :N], acc2[1, :N], b2.reshape(1, F), OnesE,
                      Wr.reshape(F, 1), br.reshape(1, 1))

# --- scband reference (transcript-rebuilt; emitter-appended) ---
"""Pipeline reference for scband-gnnattention-39410619908366 (READ-ONLY COPY).

The authoritative reference and input builder live on the scoring server;
editing this copy changes nothing except your own understanding.
"""

import jax, jax.numpy as jnp
import numpy as np

N = 10000
E = 320000
D = 128


def _gat(h, src, dst, W, a_src, a_dst, b, H, C, concat):
    xW = (h @ W).reshape(-1, H, C)
    es = jnp.sum(xW * a_src, axis=-1)
    ed = jnp.sum(xW * a_dst, axis=-1)
    e = jax.nn.leaky_relu(es[src] + ed[dst], negative_slope=0.2)
    m = jax.lax.stop_gradient(jax.ops.segment_max(e, dst, num_segments=N))
    ex = jnp.exp(e - m[dst])
    den = jax.ops.segment_sum(ex, dst, num_segments=N)
    alpha = ex / (den[dst] + 1e-16)
    out = jax.ops.segment_sum(xW[src] * alpha[:, :, None], dst, num_segments=N)
    if concat:
        out = out.reshape(-1, H * C)
    else:
        out = out.mean(axis=1)
    return out + b


def setup_inputs(seed: int = 0):
    key = jax.random.key(seed)
    ks = jax.random.split(key, 16)
    x = jax.random.normal(ks[0], (N, D), dtype=jnp.float32)
    edge_index = jax.random.randint(ks[1], (2, E), 0, N, dtype=jnp.int32)

    def p(k, shape, fan_in):
        return jax.random.normal(k, shape, dtype=jnp.float32) * (1.0 / np.sqrt(fan_in))

    W_rel = p(ks[2], (D, 128), D)
    b_rel = jnp.zeros((128,), jnp.float32)
    W_root = p(ks[3], (D, 128), D)
    W1 = p(ks[4], (128, 64), 128)
    att_src1 = p(ks[5], (1, 8, 8), 8)
    att_dst1 = p(ks[6], (1, 8, 8), 8)
    b1 = jnp.zeros((64,), jnp.float32)
    W2 = p(ks[7], (64, 64), 64)
    att_src2 = p(ks[8], (1, 1, 64), 64)
    att_dst2 = p(ks[9], (1, 1, 64), 64)
    b2 = jnp.zeros((64,), jnp.float32)
    Wr = p(ks[10], (64, 1), 64)
    br = jnp.zeros((1,), jnp.float32)
    return {"x": x, "edge_index": edge_index, "W_rel": W_rel, "b_rel": b_rel, "W_root": W_root,
            "W1": W1, "att_src1": att_src1, "att_dst1": att_dst1, "b1": b1,
            "W2": W2, "att_src2": att_src2, "att_dst2": att_dst2, "b2": b2,
            "Wr": Wr, "br": br}


def reference(x, edge_index, W_rel, b_rel, W_root, W1, att_src1, att_dst1, b1, W2, att_src2, att_dst2, b2, Wr, br):
    # dropout p=0.0, eval mode -> identity
    src, dst = edge_index[0], edge_index[1]
    # GraphConv(aggr='add'): lin_rel(sum_{j->i} x_j) + lin_root(x_i)
    agg = jax.ops.segment_sum(x[src], dst, num_segments=N)
    h = agg @ W_rel + b_rel + x @ W_root
    h = jax.nn.elu(h)
    # GATConv adds self-loops by default
    loop = jnp.arange(N, dtype=edge_index.dtype)
    src2 = jnp.concatenate([src, loop])
    dst2 = jnp.concatenate([dst, loop])
    h = _gat(h, src2, dst2, W1, att_src1, att_dst1, b1, 8, 8, True)
    h = jax.nn.elu(h)
    h = _gat(h, src2, dst2, W2, att_src2, att_dst2, b2, 1, 64, False)
    # MeanAggregation over all nodes (single graph)
    g = jnp.mean(h, axis=0, keepdims=True)
    return g @ Wr + br

if __name__ == "__main__":
    import jax
    _d = setup_inputs()
    print(jax.jit(kernel)(*tuple(_d.values())))

</pallas_src>

<mosaic_0001>
#map = affine_map<(d0, d1) -> (0)>
#map1 = affine_map<(d0, d1) -> (0, 0)>
#map2 = affine_map<(d0, d1) -> (0, 0, 0)>
module attributes {stable_mosaic.version = 14 : i64} {
  func.func @_agg_body(%arg0: i32, %arg1: i32, %arg2: memref<327680xi32, #tpu.memory_space<hbm>>, %arg3: memref<327680xi32, #tpu.memory_space<hbm>>, %arg4: memref<10000x128xf32, #tpu.memory_space<hbm>>, %arg5: memref<10112x128xf32, #tpu.memory_space<hbm>>, %arg6: memref<2x10112x128xf32, #tpu.memory_space<hbm>>, %arg7: memref<10112x128xf32, #tpu.memory_space<vmem_shared>>, %arg8: memref<128xi32, #tpu.memory_space<vmem>>, %arg9: memref<128xi32, #tpu.memory_space<vmem>>, %arg10: memref<128x128xf32, #tpu.memory_space<vmem>>, %arg11: memref<!tpu.dma_semaphore, #tpu.memory_space<semaphore_mem>>) attributes {dimension_semantics = [#tpu.dimension_semantics<core_parallel>, #tpu.dimension_semantics<subcore_parallel>], iteration_bounds = array<i64: 2, 16>, scalar_prefetch = 0 : i64, scratch_operands = 5 : i64, tpu.core_type = #tpu.core_type<sc_vector_subcore>, window_params = [{transform_indices = #map}, {transform_indices = #map}, {transform_indices = #map1}, {transform_indices = #map1}, {transform_indices = #map2}]} {
    %mul3A = arith.constant 632 : i32
    %mul3A_0 = arith.muli %arg1, %mul3A : i32
    "tpu.region"() ({
      %run_scoped3A = tpu.sem_alloc : memref<!tpu.dma_semaphore, #tpu.memory_space<semaphore_mem>>
      %dma_start3A = arith.constant 0 : i32
      %dma_start3A_11 = tpu.memref_slice %arg7[%mul3A_0, %dma_start3A] : memref<10112x128xf32, #tpu.memory_space<vmem_shared>> -> memref<632x128xf32, #tpu.memory_space<vmem_shared>>
      %dma_start3A_12 = arith.constant 0 : i32
      %dma_start3A_13 = tpu.memref_slice %arg5[%mul3A_0, %dma_start3A_12] : memref<10112x128xf32, #tpu.memory_space<hbm>> -> memref<632x128xf32, #tpu.memory_space<hbm>>
      tpu.enqueue_dma source(%dma_start3A_13 : memref<632x128xf32, #tpu.memory_space<hbm>>) target(%dma_start3A_11 : memref<632x128xf32, #tpu.memory_space<vmem_shared>>) target_semaphore(%run_scoped3A : memref<!tpu.dma_semaphore, #tpu.memory_space<semaphore_mem>>)
      %dma_wait3A = arith.constant 0 : i32
      %dma_wait3A_14 = tpu.memref_slice %arg7[%mul3A_0, %dma_wait3A] : memref<10112x128xf32, #tpu.memory_space<vmem_shared>> -> memref<632x128xf32, #tpu.memory_space<vmem_shared>>
      %dma_wait3A_15 = arith.constant 0 : i32
      %dma_wait3A_16 = tpu.memref_slice %arg5[%mul3A_0, %dma_wait3A_15] : memref<10112x128xf32, #tpu.memory_space<hbm>> -> memref<632x128xf32, #tpu.memory_space<hbm>>
      tpu.wait_dma2 semaphore(%run_scoped3A : memref<!tpu.dma_semaphore, #tpu.memory_space<semaphore_mem>>) src(%dma_wait3A_16 : memref<632x128xf32, #tpu.memory_space<hbm>>) dst(%dma_wait3A_14 : memref<632x128xf32, #tpu.memory_space<vmem_shared>>)
      tpu.yield
    }) : () -> ()
    %barrier3A = arith.constant 0 : index
    tpu.barrier barrier_id(%barrier3A)
    %mul3A_1 = arith.constant 163840 : i32
    %mul3A_2 = arith.muli %arg0, %mul3A_1 : i32
    %mul3A_3 = arith.constant 10240 : i32
    %mul3A_4 = arith.muli %arg1, %mul3A_3 : i32
    %add3A = arith.addi %mul3A_2, %mul3A_4 : i32
    %scan3A = arith.constant 0 : i32
    %scan3A_5 = arith.constant 0 : i32
    %scan3A_6 = arith.constant 80 : i32
    %scan3A_7 = arith.addi %scan3A_5, %scan3A_6 : i32
    %scan3A_8 = arith.constant 1 : i32
    scf.for %scan3A_11 = %scan3A_5 to %scan3A_7 step %scan3A_8  : i32 {
      %mul3A_12 = arith.constant 128 : i32
      %mul3A_13 = arith.muli %scan3A_11, %mul3A_12 : i32
      %add3A_14 = arith.addi %add3A, %mul3A_13 : i32
      "tpu.region"() ({
        %run_scoped3A = tpu.sem_alloc : memref<!tpu.dma_semaphore, #tpu.memory_space<semaphore_mem>>
        %dma_start3A_19 = tpu.memref_slice %arg2[%add3A_14] : memref<327680xi32, #tpu.memory_space<hbm>> -> memref<128xi32, #tpu.memory_space<hbm>>
        %dma_start3A_20 = tpu.memref_slice %arg2[%add3A_14] : memref<327680xi32, #tpu.memory_space<hbm>> -> memref<128xi32, #tpu.memory_space<hbm>>
        tpu.enqueue_dma source(%dma_start3A_20 : memref<128xi32, #tpu.memory_space<hbm>>) target(%arg8 : memref<128xi32, #tpu.memory_space<vmem>>) target_semaphore(%run_scoped3A : memref<!tpu.dma_semaphore, #tpu.memory_space<semaphore_mem>>)
        %dma_wait3A_21 = tpu.memref_slice %arg2[%add3A_14] : memref<327680xi32, #tpu.memory_space<hbm>> -> memref<128xi32, #tpu.memory_space<hbm>>
        %dma_wait3A_22 = tpu.memref_slice %arg2[%add3A_14] : memref<327680xi32, #tpu.memory_space<hbm>> -> memref<128xi32, #tpu.memory_space<hbm>>
        tpu.wait_dma2 semaphore(%run_scoped3A : memref<!tpu.dma_semaphore, #tpu.memory_space<semaphore_mem>>) src(%dma_wait3A_22 : memref<128xi32, #tpu.memory_space<hbm>>) dst(%arg8 : memref<128xi32, #tpu.memory_space<vmem>>)
        tpu.yield
      }) : () -> ()
      "tpu.region"() ({
        %run_scoped3A = tpu.sem_alloc : memref<!tpu.dma_semaphore, #tpu.memory_space<semaphore_mem>>
        %dma_start3A_19 = tpu.memref_slice %arg3[%add3A_14] : memref<327680xi32, #tpu.memory_space<hbm>> -> memref<128xi32, #tpu.memory_space<hbm>>
        %dma_start3A_20 = tpu.memref_slice %arg3[%add3A_14] : memref<327680xi32, #tpu.memory_space<hbm>> -> memref<128xi32, #tpu.memory_space<hbm>>
        tpu.enqueue_dma source(%dma_start3A_20 : memref<128xi32, #tpu.memory_space<hbm>>) target(%arg9 : memref<128xi32, #tpu.memory_space<vmem>>) target_semaphore(%run_scoped3A : memref<!tpu.dma_semaphore, #tpu.memory_space<semaphore_mem>>)
        %dma_wait3A_21 = tpu.memref_slice %arg3[%add3A_14] : memref<327680xi32, #tpu.memory_space<hbm>> -> memref<128xi32, #tpu.memory_space<hbm>>
        %dma_wait3A_22 = tpu.memref_slice %arg3[%add3A_14] : memref<327680xi32, #tpu.memory_space<hbm>> -> memref<128xi32, #tpu.memory_space<hbm>>
        tpu.wait_dma2 semaphore(%run_scoped3A : memref<!tpu.dma_semaphore, #tpu.memory_space<semaphore_mem>>) src(%dma_wait3A_22 : memref<128xi32, #tpu.memory_space<hbm>>) dst(%arg9 : memref<128xi32, #tpu.memory_space<vmem>>)
        tpu.yield
      }) : () -> ()
      %dma_start3A = arith.constant 0 : i32
      %dma_start3A_15 = arith.constant 0 : i32
      %dma_start3A_16 = tpu.memref_slice %arg4[%dma_start3A, %dma_start3A_15] : memref<10000x128xf32, #tpu.memory_space<hbm>> -> memref<10000x128xf32, #tpu.memory_space<hbm>>
      tpu.enqueue_indirect_dma source(%dma_start3A_16 : memref<10000x128xf32, #tpu.memory_space<hbm>>) target(%arg10 : memref<128x128xf32, #tpu.memory_space<vmem>>) offsets(%arg8 : memref<128xi32, #tpu.memory_space<vmem>>) semaphore(%arg11 : memref<!tpu.dma_semaphore, #tpu.memory_space<semaphore_mem>>)
      %dma_wait3A = arith.constant 0 : i32
      %dma_wait3A_17 = arith.constant 0 : i32
      %dma_wait3A_18 = tpu.memref_slice %arg4[%dma_wait3A, %dma_wait3A_17] : memref<10000x128xf32, #tpu.memory_space<hbm>> -> memref<10000x128xf32, #tpu.memory_space<hbm>>
      tpu.wait_indirect_dma semaphore(%arg11 : memref<!tpu.dma_semaphore, #tpu.memory_space<semaphore_mem>>) src(%dma_wait3A_18 : memref<10000x128xf32, #tpu.memory_space<hbm>>) dst(%arg10 : memref<128x128xf32, #tpu.memory_space<vmem>>)
      "tpu.region"() ({
        %run_scoped3A = tpu.sem_alloc : memref<!tpu.dma_semaphore, #tpu.memory_space<semaphore_mem>>
        %dma_start3A_19 = arith.constant 0 : i32
        %dma_start3A_20 = arith.constant 0 : i32
        %dma_start3A_21 = tpu.memref_slice %arg7[%dma_start3A_19, %dma_start3A_20] : memref<10112x128xf32, #tpu.memory_space<vmem_shared>> -> memref<10112x128xf32, #tpu.memory_space<vmem_shared>>
        tpu.enqueue_indirect_dma source(%arg10 : memref<128x128xf32, #tpu.memory_space<vmem>>) target(%dma_start3A_21 : memref<10112x128xf32, #tpu.memory_space<vmem_shared>>) offsets(%arg9 : memref<128xi32, #tpu.memory_space<vmem>>) semaphore(%run_scoped3A : memref<!tpu.dma_semaphore, #tpu.memory_space<semaphore_mem>>) {add = true}
        %dma_wait3A_22 = arith.constant 0 : i32
        %dma_wait3A_23 = arith.constant 0 : i32
        %dma_wait3A_24 = tpu.memref_slice %arg7[%dma_wait3A_22, %dma_wait3A_23] : memref<10112x128xf32, #tpu.memory_space<vmem_shared>> -> memref<10112x128xf32, #tpu.memory_space<vmem_shared>>
        tpu.wait_indirect_dma semaphore(%run_scoped3A : memref<!tpu.dma_semaphore, #tpu.memory_space<semaphore_mem>>) src(%arg10 : memref<128x128xf32, #tpu.memory_space<vmem>>) dst(%dma_wait3A_24 : memref<10112x128xf32, #tpu.memory_space<vmem_shared>>)
        tpu.yield
      }) : () -> ()
    }
    %scan3A_9 = arith.constant 80 : i32
    %barrier3A_10 = arith.constant 0 : index
    tpu.barrier barrier_id(%barrier3A_10)
    "tpu.region"() ({
      %run_scoped3A = tpu.sem_alloc : memref<!tpu.dma_semaphore, #tpu.memory_space<semaphore_mem>>
      %dma_start3A = arith.constant 0 : i32
      %dma_start3A_11 = tpu.memref_slice %arg6[%arg0, %mul3A_0, %dma_start3A] : memref<2x10112x128xf32, #tpu.memory_space<hbm>> -> memref<1x632x128xf32, #tpu.memory_space<hbm>>
      %dma_start3A_12 = tpu.memref_squeeze %dma_start3A_11 : memref<1x632x128xf32, #tpu.memory_space<hbm>> -> memref<632x128xf32, #tpu.memory_space<hbm>>
      %dma_start3A_13 = arith.constant 0 : i32
      %dma_start3A_14 = tpu.memref_slice %arg7[%mul3A_0, %dma_start3A_13] : memref<10112x128xf32, #tpu.memory_space<vmem_shared>> -> memref<632x128xf32, #tpu.memory_space<vmem_shared>>
      tpu.enqueue_dma source(%dma_start3A_14 : memref<632x128xf32, #tpu.memory_space<vmem_shared>>) target(%dma_start3A_12 : memref<632x128xf32, #tpu.memory_space<hbm>>) target_semaphore(%run_scoped3A : memref<!tpu.dma_semaphore, #tpu.memory_space<semaphore_mem>>)
      %dma_wait3A = arith.constant 0 : i32
      %dma_wait3A_15 = tpu.memref_slice %arg6[%arg0, %mul3A_0, %dma_wait3A] : memref<2x10112x128xf32, #tpu.memory_space<hbm>> -> memref<1x632x128xf32, #tpu.memory_space<hbm>>
      %dma_wait3A_16 = tpu.memref_squeeze %dma_wait3A_15 : memref<1x632x128xf32, #tpu.memory_space<hbm>> -> memref<632x128xf32, #tpu.memory_space<hbm>>
      %dma_wait3A_17 = arith.constant 0 : i32
      %dma_wait3A_18 = tpu.memref_slice %arg7[%mul3A_0, %dma_wait3A_17] : memref<10112x128xf32, #tpu.memory_space<vmem_shared>> -> memref<632x128xf32, #tpu.memory_space<vmem_shared>>
      tpu.wait_dma2 semaphore(%run_scoped3A : memref<!tpu.dma_semaphore, #tpu.memory_space<semaphore_mem>>) src(%dma_wait3A_18 : memref<632x128xf32, #tpu.memory_space<vmem_shared>>) dst(%dma_wait3A_16 : memref<632x128xf32, #tpu.memory_space<hbm>>)
      tpu.yield
    }) : () -> ()
    return
  }
}

</mosaic_0001>

<sc_bundles>
// kernel: _sc_agg.3.cloned.1.call-start
scs
__scs_entry_jumppad:
0x0: {  	(pc) =	sbr.rel $0x88, $3  }
0x1: {  	(tag) =	ssettag $0x0;
	lr =	simm.s32 $0x1  }
0x2: {  	[smem:$0x3F9D] =	sst lr;
	_ =	strace $0xD0000000  }
0x3: {  	_ = 	snop  }
0x4: {  	_ = 	snop  }
0x5: {  	_ = 	snop  }
0x6: {  	_ = 	snop  }
0x7: {  	_ = 	snop  }
__scs_overlays_trampoline_lowered:
0x8: {  	[smem:$0x3FAC] =	sst s0  }
0x9: {  	[smem:$0x3FAD] =	sst s1  }
0xa: {  	[smem:$0x3FAE] =	sst s2  }
0xb: {  	[smem:$0x3FAF] =	sst s3  }
0xc: {  	[smem:$0x3FB0] =	sst s4  }
0xd: {  	[smem:$0x3FB1] =	sst s5  }
0xe: {  	[smem:$0x3FB2] =	sst s6  }
0xf: {  	[smem:$0x3FB3] =	sst s7  }
0x10: {  	[smem:$0x3FB4] =	sst s8  }
0x11: {  	[smem:$0x3FB5] =	sst s9;
	s0 =	simm.s32 @!p0 $0x0  }
0x12: {  	s1 =	sld [smem:$0x3F9B];
	s0 =	simm.s32 @p0 $0x1  }
0x13: {  	[smem:$0x3FB6] =	sst s0;
	s0 =	simm.s32 @!p1 $0x0  }
0x14: {  	s2 =	sld [smem:$0x3F9A];
	s0 =	simm.s32 @p1 $0x1  }
0x15: {  	[smem:$0x3FB7] =	sst s0;
	s0 =	simm.s32 @!p2 $0x0  }
0x16: {  	s3 =	sld [smem:$0x3FDB];
	s0 =	simm.s32 @p2 $0x1  }
0x17: {  	s4 =	simm.s32 $0x1BF5;
	[smem:$0x3FB9] =	sst s0  }
0x18: {  	s0 =	sld [smem:$0x3F9C];
	_ =	swait.ge [sflag:s4], $0x0  }
0x19: {  	s7 =	sld [smem:$0x3F9D]  }
0x1a: {  	s8 =	sadd.s32 $0xFFFFE003, lr  }
0x1b: {  	s9 =	sadd.s32 $0xFFFFFEF7, lr;
	s5 =	simm.s32 $0xFFFFFFFF;
	p2 =	slt.u32 s8, $0xFFFFF086  }
0x1c: {  	p1 =	slt.u32 s9, $0xF7A;
	s5 =	simm.s32 @!p2 $0x0  }
0x1d: {  	s5 =	simm.s32 @p1 $0x1;
	p0 =	seq.s32 s7, s2  }
0x1e: {  	s7 =	smul.u32 @!p0 $0xF7A, s2;
	p2 =	seq.s32 @!p0 s5, $0x0  }
0x1f: {  	s9 =	smul.u32 $0xF7A, s1;
	s8 =	simm.s32 @!p0 $0x1BF5;
	p2 =	por !p2, p0  }
0x20: {  	[sflag:s8] =	ssyncset.s32 @!p0 $0xFFFFF086;
	s6 =	sadd.s32 @!p0 s3, s7;
	s7 =	simm.s32 @!p0 $0x108  }
0x21: {  	s3 =	sadd.s32 s3, s9;
	s6 =	sadd.s32 @!p0 $0x88, s6;
	s7 =	simm.s32 @p2 $0x1082  }
0x22: {  	[simem:s7], [sflag:s8] =	dma.local @!p0 [hbm:s6], $0xF7A  }
0x23: {  	s9 =	sor.u32 $0xD0000000, s2;
	s6 =	simm.s32 $0x108;
	_ =	swait.ge @!p0 [sflag:s8], $0x0  }
0x24: {  	s3 =	sadd.s32 $0x88, s3;
	s6 =	simm.s32 @!p1 $0x1082;
	[sflag:s4] =	ssyncset.s32 $0xFFFFF086  }
0x25: {  	[simem:s6], [sflag:s4] =	dma.local [hbm:s3], $0xF7A  }
0x26: {  	[smem:$0x3F9D] =	sst s1;
	(tag) =	ssettag s2;
	_ =	strace s9  }
0x27: {  	s1 =	sld [smem:$0x3FAD]  }
0x28: {  	s2 =	sld [smem:$0x3FAE]  }
0x29: {  	s4 =	sld [smem:$0x3FB0]  }
0x2a: {  	p0 =	seq.s32 s5, $0x0;
	s5 =	sld [smem:$0x3FB1]  }
0x2b: {  	s6 =	sld [smem:$0x3FB2]  }
0x2c: {  	s7 =	sld [smem:$0x3FB3]  }
0x2d: {  	s3 =	simm.s32 $0x108;
	s8 =	sld [smem:$0x3FB4]  }
0x2e: {  	s3 =	simm.s32 @!p0 $0x1082;
	s9 =	sld [smem:$0x3FB5]  }
0x2f: {  	lr =	sadd.s32 s0, s3;
	s0 =	sld [smem:$0x3FAC]  }
0x30: {  	s3 =	sld [smem:$0x3FAF]  }
0x31: {  	[smem:$0x3FB8] =	sst s10  }
0x32: {  	s10 =	sld [smem:$0x3FB6];
	_ =	sdelay $0x3  }
0x33: {  	p0 =	seq.s32 s10, $0x1;
	s10 =	sld [smem:$0x3FB8];
	_ =	sdelay $0x3  }
0x34: {  	[smem:$0x3FB8] =	sst s10  }
0x35: {  	s10 =	sld [smem:$0x3FB7];
	_ =	sdelay $0x3  }
0x36: {  	p1 =	seq.s32 s10, $0x1;
	s10 =	sld [smem:$0x3FB8];
	_ =	sdelay $0x3  }
0x37: {  	[smem:$0x3FB8] =	sst s10  }
0x38: {  	s10 =	sld [smem:$0x3FB9]  }
0x39: {  	_ = 	snop;
	(pc) =	sbr.ind lr, $3  }
0x3a: {  	_ = 	snop  }
0x3b: {  	_ = 	snop  }
0x3c: {  	p2 =	seq.s32 s10, $0x1;
	s10 =	sld [smem:$0x3FB8]  }
0x3d: {  	_ =	shalt  }
0x3e: {  	_ =	shalt  }
0x3f: {  	_ =	shalt  }
0x40: {  	_ =	shalt  }
0x41: {  	_ =	shalt  }
0x42: {  	_ =	shalt  }
0x43: {  	_ =	shalt  }
0x44: {  	_ =	shalt  }
0x45: {  	_ =	shalt  }
0x46: {  	_ =	shalt  }
0x47: {  	_ =	shalt  }
0x48: {  	_ =	shalt  }
0x49: {  	_ =	shalt  }
0x4a: {  	_ =	shalt  }
0x4b: {  	_ =	shalt  }
0x4c: {  	_ =	shalt  }
0x4d: {  	_ =	shalt  }
0x4e: {  	_ =	shalt  }
0x4f: {  	_ =	shalt  }
0x50: {  	_ =	shalt  }
0x51: {  	_ =	shalt  }
0x52: {  	_ =	shalt  }
0x53: {  	_ =	shalt  }
0x54: {  	_ =	shalt  }
0x55: {  	_ =	shalt  }
0x56: {  	_ =	shalt  }
0x57: {  	_ =	shalt  }
0x58: {  	_ =	shalt  }
0x59: {  	_ =	shalt  }
0x5a: {  	_ =	shalt  }
0x5b: {  	_ =	shalt  }
0x5c: {  	_ =	shalt  }
0x5d: {  	_ =	shalt  }
0x5e: {  	_ =	shalt  }
0x5f: {  	_ =	shalt  }
0x60: {  	_ =	shalt  }
0x61: {  	_ =	shalt  }
0x62: {  	_ =	shalt  }
0x63: {  	_ =	shalt  }
0x64: {  	_ =	shalt  }
0x65: {  	_ =	shalt  }
0x66: {  	_ =	shalt  }
0x67: {  	_ =	shalt  }
0x68: {  	_ =	shalt  }
0x69: {  	_ =	shalt  }
0x6a: {  	_ =	shalt  }
0x6b: {  	_ =	shalt  }
0x6c: {  	_ =	shalt  }
0x6d: {  	_ =	shalt  }
0x6e: {  	_ =	shalt  }
0x6f: {  	_ =	shalt  }
0x70: {  	_ =	shalt  }
0x71: {  	_ =	shalt  }
0x72: {  	_ =	shalt  }
0x73: {  	_ =	shalt  }
0x74: {  	_ =	shalt  }
0x75: {  	_ =	shalt  }
0x76: {  	_ =	shalt  }
0x77: {  	_ =	shalt  }
0x78: {  	_ =	shalt  }
0x79: {  	_ =	shalt  }
0x7a: {  	_ =	shalt  }
0x7b: {  	_ =	shalt  }
0x7c: {  	_ =	shalt  }
0x7d: {  	_ =	shalt  }
0x7e: {  	_ =	shalt  }
0x7f: {  	_ =	shalt  }
0x80: {  	_ =	shalt  }
0x81: {  	_ =	shalt  }
0x82: {  	_ =	shalt  }
0x83: {  	_ =	shalt  }
0x84: {  	_ =	shalt  }
0x85: {  	_ =	shalt  }
0x86: {  	_ =	shalt  }
0x87: {  	_ =	shalt  }
.Lfunc_end0:
.L_simem_size_0:
called_computation_lowered:
.L_overlay_start_0:
0x88: {  	s2 =	sld [smem:$0x3FD9]  }
0x89: {  	s3 =	sld [smem:$0x3FFE];
	_ =	sdelay $0x1  }
0x8a: {  	s1 =	srdreg.scid  }
0x8b: {  	s0 =	sand.u32 $0x1, s1  }
0x8c: {  	s18 =	sshll.u32 s0, $0xA;
	s2 =	sadd.s32 s3, s2  }
0x8d: {  	s2 =	sadd.s32 s2, s18  }
0x8e: {  	[smem:$0x3FC4] =	sst s2  }
0x8f: {  	_ = 	snop  }
0x90: {  	s2 =	sld [smem:$0x3FC9]  }
0x91: {  	s19 =	sld [smem:$0x3FC8]  }
0x92: {  	s4 =	sld [smem:$0x3FC7]  }
0x93: {  	s5 =	sld [smem:$0x3FC6]  }
0x94: {  	s6 =	sld [smem:$0x3FD0];
	(tm) =	ssettm $0x1  }
0x95: {  	s7 =	sld [smem:$0x3FFB];
	_ =	sdelay $0x3  }
0x96: {  	_ =	strace s7  }
0x97: {  	s7 =	sld [smem:$0x3FFC];
	_ =	sdelay $0x3  }
0x98: {  	_ =	strace s7  }
0x99: {  	s7 =	sld [smem:$0x3FFD];
	_ =	sdelay $0x3  }
0x9a: {  	_ =	strace s7  }
0x9b: {  	_ =	strace $0x8FFFFFFF  }
0x9c: {  	s20 =	sld [smem:$0x3FDB];
	_ =	sdelay $0x1  }
0x9d: {  	s8 =	simm.s32 $_scs_section_size  }
0x9e: {  	s9 =	simm.s32 $_size__tile_overlayer_lowered;
	s10 =	simm.s32 $_tile_overlayer_lowered  }
0x9f: {  	s23 =	simm.s32 $0x1BFF;
	s22 =	sshll.u32 s10, $0x1;
	s7 =	sadd.s32 s8, s20  }
0xa0: {  	s11 =	simm.s32 $0x0;
	s21 =	sshll.u32 s9, $0x1;
	s9 =	sadd.s32 s22, s7  }
0xa1: {  	[timem:s11], [sflag:s23] =	dma.local [hbm:s9], s21  }
0xa2: {  	_ =	swait.ge [sflag:s23], s21  }
0xa3: {  	s8 =	ssub.s32 $0x0, s21;
	[sflag:s23] =	ssyncset.done $0x0  }
0xa4: {  	[sflag:s23] =	ssyncadd.s32 s8;
	_ =	sdelay $0x1  }
0xa5: {  	s24 =	simm.s32 $0x1B8B  }
0xa6: {  	_ =	swait.ge [sflag:s24], $0x1  }
0xa7: {  	[sflag:s24] =	ssyncset.done $0x0  }
0xa8: {  	s25 =	simm.s32 $0x1B8E;
	[sflag:s24] =	ssyncadd.s32 $0xFFFFFFFF  }
0xa9: {  	s26 =	simm.s32 $execute0_lowered;
	[smem:$0x3FD2] =	sst s25  }
0xaa: {  	s8 =	sshll.u32 s26, $0x1;
	_ =	strace $0x80000046;
	[dreg:$0x1] =	wrdreg $0xFFFFFFFF  }
0xab: {  	s28 =	simm.s32 $_size_execute0_lowered;
	s7 =	sadd.s32 s7, s8;
	[dreg:$0x0] =	wrdreg $0x0  }
0xac: {  	s8 =	sshll.u32 s28, $0x1;
	[dreg:$0x2] =	wrdreg s7  }
0xad: {  	[dreg:$0x3] =	wrdreg s8  }
0xae: {  	[dreg:$0x4] =	wrdreg $0xC0  }
0xaf: {  	_ =	task [dreg:s11], $0x5FFFF  }
0xb0: {  	[dreg:$0x1] =	wrdreg $0xFFFFFFFF  }
0xb1: {  	[dreg:$0x0] =	wrdreg $0x60  }
0xb2: {  	[dreg:$0x2] =	wrdreg s2  }
0xb3: {  	[dreg:$0x3] =	wrdreg s19  }
0xb4: {  	[dreg:$0x4] =	wrdreg s4  }
0xb5: {  	[dreg:$0x5] =	wrdreg s5  }
0xb6: {  	[dreg:$0x6] =	wrdreg s6  }
0xb7: {  	[dreg:$0x7] =	wrdreg $0x0  }
0xb8: {  	[dreg:$0x8] =	wrdreg $0x9  }
0xb9: {  	_ =	task.clear_ibuf [dreg:s11], $0x9FFFF;
	_ =	strace $0x90000046  }
0xba: {  	s29 =	simm.s32 $0x9;
	_ =	strace $0x80000048  }
0xbb: {  	_ =	swait.ge [sflag:s29], $0x1  }
0xbc: {  	[sflag:s29] =	ssyncadd.s32 $0xFFFFFFFF  }
0xbd: {  	_ =	strace $0x90000048  }
0xbe: {  	_ =	sfence  }
0xbf: {  	s30 =	sld [smem:$0x0];
	_ =	sdelay $0x2  }
0xc0: {  	s31 =	sshll.u32 s1, $0xD;
	s1 =	sshrl.u32 s1, $0x2  }
0xc1: {  	s3 =	sand.u32 $0x4000, s31;
	s1 =	sadd.s32 s1, s30  }
0xc2: {  	s0 =	sor.u32 s3, s0;
	s1 =	sshll.u32 s1, $0x11  }
0xc3: {  	s0 =	sor.u32 s1, s0  }
0xc4: {  	s0 =	sadd.s32 $0x8F2B, s0  }
0xc5: {  	[sflag:s0] =	ssyncadd.remote.s32 $0x1  }
0xc6: {  	_ =	sfence.sel $0xFFFF  }
0xc7: {  	[dreg:$0x0] =	wrdreg $0xFFFFFFFF;
	(pc) =	sbr.abs _section_cstart, $3  }
0xc8: {  	[dreg:$0x1] =	wrdreg $0xFFFFFFFF  }
0xc9: {  	_ =	task.clear_ibuf [dreg:s11], $0x2FFFF;
	_ =	strace $0x9FFFFFFF  }
0xca: {  	(tm) =	ssettm $0x7FFFFFFF  }
0xcb: {  	_ =	shalt  }
tec
execute0_lowered:
.L_overlay_start_1:
0x0: {  	(tag) =	ssettag $0x1  }
0x1: {  	s10 =	rddreg [dreg:$0x0]  }
0x2: {  	s9 =	rddreg [dreg:$0x1]  }
0x3: {  	s1 =	rddreg [dreg:$0x2]  }
0x4: {  	s5 =	rddreg [dreg:$0x3]  }
0x5: {  	s7 =	rddreg [dreg:$0x4]  }
0x6: {  	s3 =	rddreg [dreg:$0x5]  }
0x7: {  	s0 =	rddreg [dreg:$0x6];
	s2 =	stileid.u32  }
0x8: {  	s6 =	srdreg.scid;
	s8 =	smul.u32 $0x4F000, s2  }
0x9: {  	s4 =	simm.s32 $0x0;
	s17 =	simm.s32 $0x1;
	s11 =	smul.u32 $0x13C00, s2  }
0xa: {  	s18 =	simm.s32 $0x0;
	s6 =	sand.u32 $0x1, s6;
	s15 =	smul.u32 $0x2800, s2  }
0xb: {  	[smem:$0x7FF] =	sst s4;
	s29 =	sshll.u32 s2, $0x6;
	s13 =	smul.u32 $0x28000, s6  }
0xc: {  	s12 =	ssub.s32 $0x2, s6;
	_ =	strace $0x80000047;
	s6 =	smul.u32 $0x13C000, s6  }
0xd: {  	s14 =	sshrl.u32 s12, $0x1;
	s8 =	sshrl.u32 s8, $0x2;
	s16 =	sshrl.u32 s11, $0x3  }
0xe: {  	s12 =	ssub.s32 s12, s14;
	s28 =	sadd.s32 s8, s3;
	s5 =	sadd.s32 s5, s16  }
0xf: {  	s11 =	sadd.s32 s11, s6;
	s13 =	sadd.s32 s15, s13;
	s6 =	sor.u32 $0x1C02, s29  }
0x10: {  	s14 =	simm.s32 $0x13C80;
	s15 =	simm.s32 $0x80;
	s16 =	simm.s32 $0x13D00  }
0x11: {  	s30 =	sshrl.u32 s11, $0x3;
	s31 =	sshrl.u32 s13, $0x3;
	s8 =	smax.u32 s12, $0x1  }
0x12: {  	s11 =	sshrl.u32 s28, $0x3;
	s12 =	simm.s32 $0x2;
	s13 =	simm.s32 $0x13C00  }
0x13: {  	s7 =	sadd.s32 s7, s30;
	s9 =	sadd.s32 s31, s9;
	s10 =	sadd.s32 s31, s10  }
.LBB2_1:
0x14: {  	[spmem:s11], [sflag:s6] =	dma.local [hbm:s5], $0x2780  }
0x15: {  	_ =	swait.ge [sflag:s12], $0x2780  }
0x16: {  	[sflag:s12] =	ssyncset.done $0x0  }
0x17: {  	[sflag:s12] =	ssyncadd.s32 $0xFFFFD880  }
0x18: {  	s19 =	sadd.s32 $0x0, s10;
	[bflag:$0x0] =	sbarrier.arrive $0xFFFF  }
0x19: {  	[tilespmem:s13], [sflag:$0x2] =	stream.linear.gather [hbm4b:s19+s4], $0x80, $0x38;
	[tilespmem:$0x17D00] =	vst v63  }
0x1a: {  	_ =	swait.ge [sflag:s12], $0x80  }
0x1b: {  	[sflag:s12] =	ssyncset.done $0x0  }
0x1c: {  	s31 =	sadd.s32 $0x0, s9;
	[sflag:s12] =	ssyncadd.s32 $0xFFFFFF80  }
0x1d: {  	[tilespmem:s14], [sflag:$0x2] =	stream.linear.gather [hbm4b:s31+s4], $0x80, $0x38;
	[tilespmem:$0x17D00] =	vst v63  }
0x1e: {  	_ =	swait.ge [sflag:s12], $0x80  }
0x1f: {  	[sflag:s12] =	ssyncset.done $0x0  }
0x20: {  	[sflag:s12] =	ssyncadd.s32 $0xFFFFFF80  }
0x21: {  	[tilespmem:s16], [sflag:$0x1] =	stream.indirect.gather [hbm4b:s1+s15], $0x80, s13, s15, $0xb8;
	[tilespmem:$0x17D00] =	vst v63  }
0x22: {  	_ =	swait.ge [sflag:s17], $0x4000  }
0x23: {  	[sflag:s17] =	ssyncset.done $0x0  }
0x24: {  	[sflag:s17] =	ssyncadd.s32 $0xFFFFC000  }
0x25: {  	[spmem:s3] =	stream.indirect.scatter.add.f32 [tilespmem:s16], [sflag:$0x2], $0x80, s14, s15, $0xb8;
	[tilespmem:$0x17D00] =	vst v63  }
0x26: {  	_ =	swait.ge [sflag:s12], $0x4000  }
0x27: {  	s20 =	simm.s32 $0x20;
	s19 =	simm.s32 $0x10;
	[sflag:s12] =	ssyncset.done $0x0  }
.LBB2_2:
0x28: {  	s21 =	sadd.s32 s19, s10  }
0x29: {  	[sflag:s12] =	ssyncadd.s32 $0xFFFFC000;
	s22 =	smov.u32 s20;
	s23 =	sadd.s32 $0x10, s20  }
0x2a: {  	[tilespmem:s13], [sflag:$0x2] =	stream.linear.gather [hbm4b:s21+s4], $0x80, $0x38;
	[tilespmem:$0x17D00] =	vst v63  }
0x2b: {  	p0 =	sne.s32 s20, $0x4F0;
	_ =	swait.ge [sflag:s12], $0x80  }
0x2c: {  	[sflag:s12] =	ssyncset.done $0x0  }
0x2d: {  	s20 =	sadd.s32 s19, s9;
	s19 =	smov.u32 s22;
	[sflag:s12] =	ssyncadd.s32 $0xFFFFFF80  }
0x2e: {  	[tilespmem:s14], [sflag:$0x2] =	stream.linear.gather [hbm4b:s20+s4], $0x80, $0x38;
	[tilespmem:$0x17D00] =	vst v63  }
0x2f: {  	_ =	swait.ge [sflag:s12], $0x80  }
0x30: {  	[sflag:s12] =	ssyncset.done $0x0  }
0x31: {  	[sflag:s12] =	ssyncadd.s32 $0xFFFFFF80  }
0x32: {  	[tilespmem:s16], [sflag:$0x1] =	stream.indirect.gather [hbm4b:s1+s15], $0x80, s13, s15, $0xb8;
	[tilespmem:$0x17D00] =	vst v63  }
0x33: {  	_ =	swait.ge [sflag:s17], $0x4000  }
.Ltmp0:
0x34: {  	[sflag:s17] =	ssyncset.done $0x0;
	(pc) =	sbr.rel @p0 .LBB2_2-.Ltmp0, $4  }
0x35: {  	[sflag:s17] =	ssyncadd.s32 $0xFFFFC000  }
0x36: {  	[spmem:s3] =	stream.indirect.scatter.add.f32 [tilespmem:s16], [sflag:$0x2], $0x80, s14, s15, $0xb8;
	[tilespmem:$0x17D00] =	vst v63  }
0x37: {  	_ =	swait.ge [sflag:s12], $0x4000  }
0x38: {  	s20 =	smov.u32 s23;
	[sflag:s12] =	ssyncset.done $0x0  }
0x39: {  	s20 =	sadd.s32 s19, s10;
	[sflag:s12] =	ssyncadd.s32 $0xFFFFC000  }
0x3a: {  	[tilespmem:s13], [sflag:$0x2] =	stream.linear.gather [hbm4b:s20+s4], $0x80, $0x38;
	[tilespmem:$0x17D00] =	vst v63  }
0x3b: {  	_ =	swait.ge [sflag:s12], $0x80  }
0x3c: {  	[sflag:s12] =	ssyncset.done $0x0  }
0x3d: {  	s31 =	sadd.s32 s19, s9;
	[sflag:s12] =	ssyncadd.s32 $0xFFFFFF80  }
0x3e: {  	[tilespmem:s14], [sflag:$0x2] =	stream.linear.gather [hbm4b:s31+s4], $0x80, $0x38;
	[tilespmem:$0x17D00] =	vst v63  }
0x3f: {  	_ =	swait.ge [sflag:s12], $0x80  }
0x40: {  	[sflag:s12] =	ssyncset.done $0x0  }
0x41: {  	[sflag:s12] =	ssyncadd.s32 $0xFFFFFF80  }
0x42: {  	[tilespmem:s16], [sflag:$0x1] =	stream.indirect.gather [hbm4b:s1+s15], $0x80, s13, s15, $0xb8;
	[tilespmem:$0x17D00] =	vst v63  }
0x43: {  	_ =	swait.ge [sflag:s17], $0x4000  }
0x44: {  	[sflag:s17] =	ssyncset.done $0x0  }
0x45: {  	[sflag:s17] =	ssyncadd.s32 $0xFFFFC000  }
0x46: {  	[spmem:s3] =	stream.indirect.scatter.add.f32 [tilespmem:s16], [sflag:$0x2], $0x80, s14, s15, $0xb8;
	[tilespmem:$0x17D00] =	vst v63  }
0x47: {  	_ =	swait.ge [sflag:s12], $0x4000  }
0x48: {  	s18 =	sadd.s32 $0x1, s18;
	[sflag:s12] =	ssyncset.done $0x0  }
0x49: {  	p0 =	sne.s32 s18, s8;
	[sflag:s12] =	ssyncadd.s32 $0xFFFFC000  }
.Ltmp1:
0x4a: {  	[bflag:$0x0] =	sbarrier.arrive $0xFFFF;
	(pc) =	sbr.rel @p0 .LBB2_1-.Ltmp1, $4  }
0x4b: {  	[hbm:s7], [sflag:s6] =	dma.local [spmem:s11], $0x2780  }
0x4c: {  	_ =	swait.ge [sflag:s12], $0x2780  }
0x4d: {  	[sflag:s12] =	ssyncset.done $0x0  }
0x4e: {  	[sflag:s12] =	ssyncadd.s32 $0xFFFFD880  }
0x4f: {  	_ =	sfence.sel $0x180000  }
0x50: {  	[bflag:$0x0] =	sbarrier.arrive $0xFFFF  }
0x51: {  	p0 =	sne.s32 s2, $0x0;
	_ =	strace $0x90000047  }
0x52: {  	s0 =	sadd.s32 @!p0 $0x100000, s0;
	[bflag:$0x2] =	sbarrier.arrive $0xFFFF  }
0x53: {  	[sflag:s0] =	ssyncadd.tile.s32 @!p0 $0x1;
	_ =	shalt  }
.Lfunc_end2:
_tile_overlayer_lowered:
.L_overlay_start_2:
0x54: {  	(tag) =	ssettag $0x2  }
0x55: {  	s0 =	rddreg [dreg:$0x0];
	s2 =	stileid.u32  }
0x56: {  	s1 =	rddreg [dreg:$0x1];
	p0 =	sne.s32 s2, $0x0  }
0x57: {  	s3 =	rddreg [dreg:$0x2];
	[bflag:$0x3] =	sbarrier.arrive $0xFFFF;
	s2 =	simm.s32 @!p0 $0x1C02  }
0x58: {  	[timem:s3], [sflag:s2] =	dma.local @!p0 [hbm:s0], s1  }
0x59: {  	s0 =	simm.s32 @!p0 $0x2  }
0x5a: {  	_ =	swait.ge @!p0 [sflag:s0], s1  }
0x5b: {  	s1 =	ssub.s32 @!p0 $0x0, s1;
	[sflag:s0] =	ssyncset.done @!p0 $0x0  }
0x5c: {  	[sflag:s0] =	ssyncadd.s32 @!p0 s1  }
0x5d: {  	[bflag:$0x3] =	sbarrier.arrive $0xFFFF  }
0x5e: {  	_ =	shalt  }

</sc_bundles>
